<compile_context>
chip_gen: v7x
topology: tpu7x:2x2x1
jax: 0.10.2.dev20260603
libtpu: 0.0.44.dev20260713+nightly
codegen_flags: <defaults>
</compile_context>

<pallas_src>
import functools

import jax
import jax.numpy as jnp
from jax import lax
from jax.experimental import pallas as pl
from jax.experimental.pallas import tpu as pltpu
from jax.experimental.pallas import tpu_sc as plsc

N_EMB = 8192
D_EMB = 32
N_TOK = 8192
C_COST = 0.25

T_BLK = 2048
C_BLK = 2048
NT = N_TOK // T_BLK
NC = N_EMB // C_BLK

_BIG_I32 = 2 ** 30


def _k1_body(x_ref, w_ref, sx_ref, sw_ref, cols_ref, idx_ref, rmin_ref):
    j = pl.program_id(1)

    x = jnp.concatenate(
        [jnp.transpose(x_ref[k]) for k in range(T_BLK // 1024)],
        axis=0).astype(jnp.bfloat16)
    w2 = w_ref[...]
    sx = sx_ref[...]
    sw = sw_ref[0:1, :]
    colf = cols_ref[0:1, :]
    p2 = lax.dot_general(x, w2, (((1,), (1,)), ((), ())),
                         preferred_element_type=jnp.float32)
    d2 = (sx - p2) + sw
    s = jnp.sqrt(jnp.maximum(d2, 0.0))
    bm = jnp.min(s, axis=1, keepdims=True)
    bif = jnp.min(jnp.where(s == bm, colf, jnp.float32(3e38)),
                  axis=1, keepdims=True)
    bi = bif.astype(jnp.int32)

    def _round(v):
        return v.astype(jnp.bfloat16).astype(jnp.float32)

    @pl.when(j == 0)
    def _init():
        rmin_ref[...] = _round(bm)
        idx_ref[...] = bi

    @pl.when(j > 0)
    def _update():
        better = bm < rmin_ref[...]
        idx_ref[...] = jnp.where(better, bi, idx_ref[...])
        rmin_ref[...] = _round(jnp.where(better, bm, rmin_ref[...]))


def _argmin_tc(inputs, weight, sx, swb, colsb):
    idx, _ = pl.pallas_call(
        _k1_body,
        grid=(NT, NC),
        in_specs=[
            pl.BlockSpec((2, 32, 1024), lambda i, j: (i, 0, 0)),
            pl.BlockSpec((C_BLK, D_EMB), lambda i, j: (j, 0)),
            pl.BlockSpec((T_BLK, 1), lambda i, j: (i, 0)),
            pl.BlockSpec((8, C_BLK), lambda i, j: (0, j)),
            pl.BlockSpec((8, C_BLK), lambda i, j: (0, j)),
        ],
        out_specs=[
            pl.BlockSpec((T_BLK, 1), lambda i, j: (i, 0)),
            pl.BlockSpec((T_BLK, 1), lambda i, j: (i, 0)),
        ],
        out_shape=[
            jax.ShapeDtypeStruct((N_TOK, 1), jnp.int32),
            jax.ShapeDtypeStruct((N_TOK, 1), jnp.float32),
        ],
    )(inputs, weight, sx, swb, colsb)
    return idx


_NW = 32
_TPW = N_TOK // _NW
_CH = 128
_NCH = _TPW // _CH


def _sc_body(idx_hbm, w_hbm, q_hbm, counts_hbm,
             idx_v, rows_v, ones_v, zero_v, shc, sem):
    cid = lax.axis_index("c")
    sid = lax.axis_index("s")
    wid = sid * 2 + cid
    base = wid * _NCH

    pltpu.sync_copy(idx_hbm.at[pl.ds(base, _NCH)], idx_v)
    copies = []
    for ch in range(_NCH):
        copies.append(pltpu.async_copy(
            w_hbm.at[idx_v.at[ch]], rows_v.at[pl.ds(ch * _CH, _CH)], sem))

    @pl.when(sid == 0)
    def _zero():
        def zbody(i, _):
            zero_v[pl.ds(i * 16, 16)] = jnp.zeros((16,), jnp.int32)
            return 0
        lax.fori_loop(0, N_EMB // 16, zbody, 0)
        pltpu.sync_copy(zero_v, shc)

    for k in range(8):
        ones_v[pl.ds(k * 16, 16)] = jnp.full((16,), 1, jnp.int32)

    plsc.subcore_barrier()
    for ch in range(_NCH):
        pltpu.sync_copy(ones_v, shc.at[idx_v.at[ch]], add=True)
    plsc.subcore_barrier()

    @pl.when(sid == 0)
    def _export():
        pltpu.sync_copy(shc, counts_hbm.at[cid])

    for c in copies:
        c.wait()
    pltpu.sync_copy(rows_v, q_hbm.at[pl.ds(wid * _TPW, _TPW)])


def _gather_hist_sc(idx2d, weight):
    mesh = plsc.VectorSubcoreMesh(core_axis_name="c", subcore_axis_name="s")
    fn = functools.partial(
        pl.kernel,
        mesh=mesh,
        out_type=[
            jax.ShapeDtypeStruct((N_TOK, D_EMB), jnp.float32),
            jax.ShapeDtypeStruct((2, N_EMB), jnp.int32),
        ],
        scratch_types=[
            pltpu.VMEM((_NCH, _CH), jnp.int32),
            pltpu.VMEM((_TPW, D_EMB), jnp.float32),
            pltpu.VMEM((_CH,), jnp.int32),
            pltpu.VMEM((N_EMB,), jnp.int32),
            pltpu.VMEM_SHARED((N_EMB,), jnp.int32),
            pltpu.SemaphoreType.DMA,
        ],
        compiler_params=pltpu.CompilerParams(use_tc_tiling_on_sc=False),
    )(_sc_body)
    return fn(idx2d, weight)


def _k3_body(x_ref, q_ref, cnt_ref, out_ref, loss_ref, perp_ref, acc_ref):
    b = pl.program_id(0)
    x = x_ref[0]
    qt = jnp.transpose(q_ref[...])
    diff = qt - x
    out_ref[...] = (x + diff)[None]
    part = jnp.sum(diff * diff)

    @pl.when(b == 0)
    def _init():
        acc_ref[0, 0] = part

    @pl.when(b > 0)
    def _acc():
        acc_ref[0, 0] = acc_ref[0, 0] + part

    @pl.when(b == 7)
    def _final():
        l = acc_ref[0, 0] * jnp.float32(1.0 / (N_TOK * D_EMB))
        loss_ref[...] = jnp.reshape(l + C_COST * l, (1, 1))
        ctot = cnt_ref[0:1, :] + cnt_ref[1:2, :]
        p = ctot.astype(jnp.float32) * jnp.float32(1.0 / N_TOK)
        ent = jnp.sum(p * jnp.log(p + 1e-10))
        perp_ref[...] = jnp.reshape(jnp.exp(-ent), (1, 1))


def _finish_tc(inputs, q, counts):
    return pl.pallas_call(
        _k3_body,
        grid=(8,),
        in_specs=[
            pl.BlockSpec((1, 32, 1024), lambda b: (b, 0, 0)),
            pl.BlockSpec((1024, D_EMB), lambda b: (b, 0)),
            pl.BlockSpec((2, N_EMB), lambda b: (0, 0)),
        ],
        out_specs=[
            pl.BlockSpec((1, 32, 1024), lambda b: (b, 0, 0)),
            pl.BlockSpec((1, 1), lambda b: (0, 0)),
            pl.BlockSpec((1, 1), lambda b: (0, 0)),
        ],
        out_shape=[
            jax.ShapeDtypeStruct((8, 32, 1024), jnp.float32),
            jax.ShapeDtypeStruct((1, 1), jnp.float32),
            jax.ShapeDtypeStruct((1, 1), jnp.float32),
        ],
        scratch_shapes=[pltpu.SMEM((1, 1), jnp.float32)],
    )(inputs, q, counts)


def kernel(inputs, weight):
    flat_x = jnp.transpose(inputs, (0, 2, 1)).reshape(N_TOK, D_EMB)
    sx = jnp.sum(flat_x * flat_x, axis=1).reshape(N_TOK, 1)
    swb = jnp.broadcast_to(jnp.sum(weight * weight, axis=1)[None, :], (8, N_EMB))
    colsb = jnp.broadcast_to(
        jnp.arange(N_EMB, dtype=jnp.float32)[None, :], (8, N_EMB))
    idx = _argmin_tc(inputs, weight + weight, sx, swb, colsb)
    q, counts = _gather_hist_sc(idx.reshape(_NW * _NCH, _CH), weight)
    quantized_out, loss, perp = _finish_tc(inputs, q, counts)
    enc_idx = idx.reshape(8, 1024)
    return (quantized_out, loss.reshape(()), enc_idx, perp.reshape(()))

# --- scband reference (transcript-rebuilt; emitter-appended) ---
"""Pipeline reference for scband-vector-quantizer-19610820673825 (READ-ONLY COPY).

The authoritative reference and input builder live on the scoring server;
editing this copy changes nothing except your own understanding.
"""

import jax, jax.numpy as jnp
import numpy as np

NUM_EMBEDDINGS = 8192
EMBEDDING_DIM = 32
COMMITMENT_COST = 0.25


def setup_inputs(seed: int = 0) -> dict:
    key = jax.random.key(seed)
    k1, k2 = jax.random.split(key)
    inputs = jax.random.normal(k1, (8, 32, 1024), dtype=jnp.float32)
    weight = jax.random.uniform(
        k2,
        (NUM_EMBEDDINGS, EMBEDDING_DIM),
        minval=-1.0 / NUM_EMBEDDINGS,
        maxval=1.0 / NUM_EMBEDDINGS,
        dtype=jnp.float32,
    )
    return {"inputs": inputs, "weight": weight}


def reference(inputs, weight):
    # inputs: [B, D, L] -> permute to [B, L, D]
    x = jnp.transpose(inputs, (0, 2, 1))
    input_shape = x.shape
    flat_input = x.reshape(-1, EMBEDDING_DIM)
    # torch.cdist(p=2): euclidean distances between tokens and codebook entries
    d2 = (
        jnp.sum(flat_input ** 2, axis=1, keepdims=True)
        - 2.0 * (flat_input @ weight.T)
        + jnp.sum(weight ** 2, axis=1)[None, :]
    )
    distances = jnp.sqrt(jnp.maximum(d2, 0.0))
    encoding_indices = jnp.argmin(distances, axis=1)
    encodings = jax.nn.one_hot(encoding_indices, NUM_EMBEDDINGS, dtype=jnp.float32)
    quantized = (encodings @ weight).reshape(input_shape)
    # eval mode: no noise, no EMA updates
    e_latent_loss = jnp.mean((jax.lax.stop_gradient(quantized) - x) ** 2)
    q_latent_loss = jnp.mean((quantized - jax.lax.stop_gradient(x)) ** 2)
    loss = q_latent_loss + COMMITMENT_COST * e_latent_loss
    # straight-through estimator
    quantized_st = x + jax.lax.stop_gradient(quantized - x)
    quantized_out = jnp.transpose(quantized_st, (0, 2, 1))
    avg_probs = jnp.mean(encodings, axis=0)
    perplexity = jnp.exp(-jnp.sum(avg_probs * jnp.log(avg_probs + 1e-10)))
    enc_idx_out = encoding_indices.reshape(input_shape[0], -1)
    return (quantized_out, loss, enc_idx_out, perplexity)

if __name__ == "__main__":
    import jax
    _d = setup_inputs()
    print(jax.jit(kernel)(*tuple(_d.values())))

</pallas_src>

<mosaic_0001>
#map = affine_map<(d0, d1) -> (0, 0)>
module attributes {stable_mosaic.version = 14 : i64} {
  func.func @_sc_body(%arg0: i32, %arg1: i32, %arg2: memref<64x128xi32, #tpu.memory_space<hbm>>, %arg3: memref<8192x32xf32, #tpu.memory_space<hbm>>, %arg4: memref<8192x32xf32, #tpu.memory_space<hbm>>, %arg5: memref<2x8192xi32, #tpu.memory_space<hbm>>, %arg6: memref<2x128xi32, #tpu.memory_space<vmem>>, %arg7: memref<256x32xf32, #tpu.memory_space<vmem>>, %arg8: memref<128xi32, #tpu.memory_space<vmem>>, %arg9: memref<8192xi32, #tpu.memory_space<vmem>>, %arg10: memref<8192xi32, #tpu.memory_space<vmem_shared>>, %arg11: memref<!tpu.dma_semaphore, #tpu.memory_space<semaphore_mem>>) attributes {dimension_semantics = [#tpu.dimension_semantics<core_parallel>, #tpu.dimension_semantics<subcore_parallel>], iteration_bounds = array<i64: 2, 16>, scalar_prefetch = 0 : i64, scratch_operands = 6 : i64, tpu.core_type = #tpu.core_type<sc_vector_subcore>, window_params = [{transform_indices = #map}, {transform_indices = #map}, {transform_indices = #map}, {transform_indices = #map}]} {
    %mul3A = arith.constant 2 : i32
    %mul3A_0 = arith.muli %arg1, %mul3A : i32
    %add3A = arith.addi %mul3A_0, %arg0 : i32
    %mul3A_1 = arith.constant 2 : i32
    %mul3A_2 = arith.muli %add3A, %mul3A_1 : i32
    "tpu.region"() ({
      %run_scoped3A_98 = tpu.sem_alloc : memref<!tpu.dma_semaphore, #tpu.memory_space<semaphore_mem>>
      %dma_start3A_99 = arith.constant 0 : i32
      %dma_start3A_100 = tpu.memref_slice %arg2[%mul3A_2, %dma_start3A_99] : memref<64x128xi32, #tpu.memory_space<hbm>> -> memref<2x128xi32, #tpu.memory_space<hbm>>
      %dma_start3A_101 = arith.constant 0 : i32
      %dma_start3A_102 = tpu.memref_slice %arg2[%mul3A_2, %dma_start3A_101] : memref<64x128xi32, #tpu.memory_space<hbm>> -> memref<2x128xi32, #tpu.memory_space<hbm>>
      tpu.enqueue_dma source(%dma_start3A_102 : memref<2x128xi32, #tpu.memory_space<hbm>>) target(%arg6 : memref<2x128xi32, #tpu.memory_space<vmem>>) target_semaphore(%run_scoped3A_98 : memref<!tpu.dma_semaphore, #tpu.memory_space<semaphore_mem>>)
      %dma_wait3A_103 = arith.constant 0 : i32
      %dma_wait3A_104 = tpu.memref_slice %arg2[%mul3A_2, %dma_wait3A_103] : memref<64x128xi32, #tpu.memory_space<hbm>> -> memref<2x128xi32, #tpu.memory_space<hbm>>
      %dma_wait3A_105 = arith.constant 0 : i32
      %dma_wait3A_106 = tpu.memref_slice %arg2[%mul3A_2, %dma_wait3A_105] : memref<64x128xi32, #tpu.memory_space<hbm>> -> memref<2x128xi32, #tpu.memory_space<hbm>>
      tpu.wait_dma2 semaphore(%run_scoped3A_98 : memref<!tpu.dma_semaphore, #tpu.memory_space<semaphore_mem>>) src(%dma_wait3A_106 : memref<2x128xi32, #tpu.memory_space<hbm>>) dst(%arg6 : memref<2x128xi32, #tpu.memory_space<vmem>>)
      tpu.yield
    }) : () -> ()
    %dma_start3A = arith.constant 0 : i32
    %dma_start3A_3 = arith.constant 0 : i32
    %dma_start3A_4 = arith.constant 0 : i32
    %dma_start3A_5 = tpu.memref_slice %arg7[%dma_start3A_3, %dma_start3A_4] : memref<256x32xf32, #tpu.memory_space<vmem>> -> memref<128x32xf32, #tpu.memory_space<vmem>>
    %dma_start3A_6 = arith.constant 0 : i32
    %dma_start3A_7 = tpu.memref_slice %arg6[%dma_start3A, %dma_start3A_6] : memref<2x128xi32, #tpu.memory_space<vmem>> -> memref<1x128xi32, #tpu.memory_space<vmem>>
    %dma_start3A_8 = tpu.memref_squeeze %dma_start3A_7 : memref<1x128xi32, #tpu.memory_space<vmem>> -> memref<128xi32, #tpu.memory_space<vmem>>
    %dma_start3A_9 = arith.constant 0 : i32
    %dma_start3A_10 = arith.constant 0 : i32
    %dma_start3A_11 = tpu.memref_slice %arg3[%dma_start3A_9, %dma_start3A_10] : memref<8192x32xf32, #tpu.memory_space<hbm>> -> memref<8192x32xf32, #tpu.memory_space<hbm>>
    tpu.enqueue_indirect_dma source(%dma_start3A_11 : memref<8192x32xf32, #tpu.memory_space<hbm>>) target(%dma_start3A_5 : memref<128x32xf32, #tpu.memory_space<vmem>>) offsets(%dma_start3A_8 : memref<128xi32, #tpu.memory_space<vmem>>) semaphore(%arg11 : memref<!tpu.dma_semaphore, #tpu.memory_space<semaphore_mem>>)
    %dma_start3A_12 = arith.constant 1 : i32
    %dma_start3A_13 = arith.constant 128 : i32
    %dma_start3A_14 = arith.constant 0 : i32
    %dma_start3A_15 = tpu.memref_slice %arg7[%dma_start3A_13, %dma_start3A_14] : memref<256x32xf32, #tpu.memory_space<vmem>> -> memref<128x32xf32, #tpu.memory_space<vmem>>
    %dma_start3A_16 = arith.constant 0 : i32
    %dma_start3A_17 = tpu.memref_slice %arg6[%dma_start3A_12, %dma_start3A_16] : memref<2x128xi32, #tpu.memory_space<vmem>> -> memref<1x128xi32, #tpu.memory_space<vmem>>
    %dma_start3A_18 = tpu.memref_squeeze %dma_start3A_17 : memref<1x128xi32, #tpu.memory_space<vmem>> -> memref<128xi32, #tpu.memory_space<vmem>>
    %dma_start3A_19 = arith.constant 0 : i32
    %dma_start3A_20 = arith.constant 0 : i32
    %dma_start3A_21 = tpu.memref_slice %arg3[%dma_start3A_19, %dma_start3A_20] : memref<8192x32xf32, #tpu.memory_space<hbm>> -> memref<8192x32xf32, #tpu.memory_space<hbm>>
    tpu.enqueue_indirect_dma source(%dma_start3A_21 : memref<8192x32xf32, #tpu.memory_space<hbm>>) target(%dma_start3A_15 : memref<128x32xf32, #tpu.memory_space<vmem>>) offsets(%dma_start3A_18 : memref<128xi32, #tpu.memory_space<vmem>>) semaphore(%arg11 : memref<!tpu.dma_semaphore, #tpu.memory_space<semaphore_mem>>)
    %eq3A = arith.constant 0 : i32
    %eq3A_22 = arith.cmpi eq, %arg1, %eq3A : i32
    %convert_element_type3A = arith.extui %eq3A_22 : i1 to i32
    %cond3A = arith.constant 0 : i32
    %cond3A_23 = arith.cmpi ne, %convert_element_type3A, %cond3A : i32
    scf.if %cond3A_23 {
      %scan3A = arith.constant 0 : i32
      %scan3A_98 = arith.constant 0 : i32
      %scan3A_99 = arith.constant 512 : i32
      %scan3A_100 = arith.addi %scan3A_98, %scan3A_99 : i32
      %scan3A_101 = arith.constant 1 : i32
      %scan3A_102 = scf.for %scan3A_104 = %scan3A_98 to %scan3A_100 step %scan3A_101 iter_args(%scan3A_105 = %scan3A) -> (i32)  : i32 {
        %broadcast_in_dim3A_106 = arith.constant 0 : i32
        %broadcast_in_dim3A_107 = vector.broadcast %broadcast_in_dim3A_106 : i32 to vector<16xi32>
        %mul3A_108 = arith.constant 16 : i32
        %mul3A_109 = arith.muli %scan3A_104, %mul3A_108 : i32
        %swap3A_110 = arith.index_cast %mul3A_109 : i32 to index
        %swap3A_111 = tpu.vector_load %arg9[%swap3A_110] {strides = array<i32>} : memref<8192xi32, #tpu.memory_space<vmem>>, vector<16xi32>,
        %swap3A_112 = vector.shape_cast %swap3A_111 : vector<16xi32> to vector<16xi32>
        %swap3A_113 = vector.shape_cast %broadcast_in_dim3A_107 : vector<16xi32> to vector<16xi32>
        tpu.vector_store %arg9[%swap3A_110], %swap3A_113 {strides = array<i32>} : memref<8192xi32, #tpu.memory_space<vmem>>, vector<16xi32>,
        %scan3A_114 = arith.constant 0 : i32
        scf.yield %scan3A_114 : i32
      }
      %scan3A_103 = arith.constant 512 : i32
      "tpu.region"() ({
        %run_scoped3A_104 = tpu.sem_alloc : memref<!tpu.dma_semaphore, #tpu.memory_space<semaphore_mem>>
        tpu.enqueue_dma source(%arg9 : memref<8192xi32, #tpu.memory_space<vmem>>) target(%arg10 : memref<8192xi32, #tpu.memory_space<vmem_shared>>) target_semaphore(%run_scoped3A_104 : memref<!tpu.dma_semaphore, #tpu.memory_space<semaphore_mem>>)
        tpu.wait_dma2 semaphore(%run_scoped3A_104 : memref<!tpu.dma_semaphore, #tpu.memory_space<semaphore_mem>>) src(%arg9 : memref<8192xi32, #tpu.memory_space<vmem>>) dst(%arg10 : memref<8192xi32, #tpu.memory_space<vmem_shared>>)
        tpu.yield
      }) : () -> ()
    } else {
    }
    %broadcast_in_dim3A = arith.constant 1 : i32
    %broadcast_in_dim3A_24 = vector.broadcast %broadcast_in_dim3A : i32 to vector<16xi32>
    %swap3A = arith.constant 0 : index
    %swap3A_25 = tpu.vector_load %arg8[%swap3A] {strides = array<i32>} : memref<128xi32, #tpu.memory_space<vmem>>, vector<16xi32>,
    %swap3A_26 = vector.shape_cast %swap3A_25 : vector<16xi32> to vector<16xi32>
    %swap3A_27 = vector.shape_cast %broadcast_in_dim3A_24 : vector<16xi32> to vector<16xi32>
    tpu.vector_store %arg8[%swap3A], %swap3A_27 {strides = array<i32>} : memref<128xi32, #tpu.memory_space<vmem>>, vector<16xi32>,
    %broadcast_in_dim3A_28 = arith.constant 1 : i32
    %broadcast_in_dim3A_29 = vector.broadcast %broadcast_in_dim3A_28 : i32 to vector<16xi32>
    %swap3A_30 = arith.constant 16 : index
    %swap3A_31 = tpu.vector_load %arg8[%swap3A_30] {strides = array<i32>} : memref<128xi32, #tpu.memory_space<vmem>>, vector<16xi32>,
    %swap3A_32 = vector.shape_cast %swap3A_31 : vector<16xi32> to vector<16xi32>
    %swap3A_33 = vector.shape_cast %broadcast_in_dim3A_29 : vector<16xi32> to vector<16xi32>
    tpu.vector_store %arg8[%swap3A_30], %swap3A_33 {strides = array<i32>} : memref<128xi32, #tpu.memory_space<vmem>>, vector<16xi32>,
    %broadcast_in_dim3A_34 = arith.constant 1 : i32
    %broadcast_in_dim3A_35 = vector.broadcast %broadcast_in_dim3A_34 : i32 to vector<16xi32>
    %swap3A_36 = arith.constant 32 : index
    %swap3A_37 = tpu.vector_load %arg8[%swap3A_36] {strides = array<i32>} : memref<128xi32, #tpu.memory_space<vmem>>, vector<16xi32>,
    %swap3A_38 = vector.shape_cast %swap3A_37 : vector<16xi32> to vector<16xi32>
    %swap3A_39 = vector.shape_cast %broadcast_in_dim3A_35 : vector<16xi32> to vector<16xi32>
    tpu.vector_store %arg8[%swap3A_36], %swap3A_39 {strides = array<i32>} : memref<128xi32, #tpu.memory_space<vmem>>, vector<16xi32>,
    %broadcast_in_dim3A_40 = arith.constant 1 : i32
    %broadcast_in_dim3A_41 = vector.broadcast %broadcast_in_dim3A_40 : i32 to vector<16xi32>
    %swap3A_42 = arith.constant 48 : index
    %swap3A_43 = tpu.vector_load %arg8[%swap3A_42] {strides = array<i32>} : memref<128xi32, #tpu.memory_space<vmem>>, vector<16xi32>,
    %swap3A_44 = vector.shape_cast %swap3A_43 : vector<16xi32> to vector<16xi32>
    %swap3A_45 = vector.shape_cast %broadcast_in_dim3A_41 : vector<16xi32> to vector<16xi32>
    tpu.vector_store %arg8[%swap3A_42], %swap3A_45 {strides = array<i32>} : memref<128xi32, #tpu.memory_space<vmem>>, vector<16xi32>,
    %broadcast_in_dim3A_46 = arith.constant 1 : i32
    %broadcast_in_dim3A_47 = vector.broadcast %broadcast_in_dim3A_46 : i32 to vector<16xi32>
    %swap3A_48 = arith.constant 64 : index
    %swap3A_49 = tpu.vector_load %arg8[%swap3A_48] {strides = array<i32>} : memref<128xi32, #tpu.memory_space<vmem>>, vector<16xi32>,
    %swap3A_50 = vector.shape_cast %swap3A_49 : vector<16xi32> to vector<16xi32>
    %swap3A_51 = vector.shape_cast %broadcast_in_dim3A_47 : vector<16xi32> to vector<16xi32>
    tpu.vector_store %arg8[%swap3A_48], %swap3A_51 {strides = array<i32>} : memref<128xi32, #tpu.memory_space<vmem>>, vector<16xi32>,
    %broadcast_in_dim3A_52 = arith.constant 1 : i32
    %broadcast_in_dim3A_53 = vector.broadcast %broadcast_in_dim3A_52 : i32 to vector<16xi32>
    %swap3A_54 = arith.constant 80 : index
    %swap3A_55 = tpu.vector_load %arg8[%swap3A_54] {strides = array<i32>} : memref<128xi32, #tpu.memory_space<vmem>>, vector<16xi32>,
    %swap3A_56 = vector.shape_cast %swap3A_55 : vector<16xi32> to vector<16xi32>
    %swap3A_57 = vector.shape_cast %broadcast_in_dim3A_53 : vector<16xi32> to vector<16xi32>
    tpu.vector_store %arg8[%swap3A_54], %swap3A_57 {strides = array<i32>} : memref<128xi32, #tpu.memory_space<vmem>>, vector<16xi32>,
    %broadcast_in_dim3A_58 = arith.constant 1 : i32
    %broadcast_in_dim3A_59 = vector.broadcast %broadcast_in_dim3A_58 : i32 to vector<16xi32>
    %swap3A_60 = arith.constant 96 : index
    %swap3A_61 = tpu.vector_load %arg8[%swap3A_60] {strides = array<i32>} : memref<128xi32, #tpu.memory_space<vmem>>, vector<16xi32>,
    %swap3A_62 = vector.shape_cast %swap3A_61 : vector<16xi32> to vector<16xi32>
    %swap3A_63 = vector.shape_cast %broadcast_in_dim3A_59 : vector<16xi32> to vector<16xi32>
    tpu.vector_store %arg8[%swap3A_60], %swap3A_63 {strides = array<i32>} : memref<128xi32, #tpu.memory_space<vmem>>, vector<16xi32>,
    %broadcast_in_dim3A_64 = arith.constant 1 : i32
    %broadcast_in_dim3A_65 = vector.broadcast %broadcast_in_dim3A_64 : i32 to vector<16xi32>
    %swap3A_66 = arith.constant 112 : index
    %swap3A_67 = tpu.vector_load %arg8[%swap3A_66] {strides = array<i32>} : memref<128xi32, #tpu.memory_space<vmem>>, vector<16xi32>,
    %swap3A_68 = vector.shape_cast %swap3A_67 : vector<16xi32> to vector<16xi32>
    %swap3A_69 = vector.shape_cast %broadcast_in_dim3A_65 : vector<16xi32> to vector<16xi32>
    tpu.vector_store %arg8[%swap3A_66], %swap3A_69 {strides = array<i32>} : memref<128xi32, #tpu.memory_space<vmem>>, vector<16xi32>,
    %barrier3A = arith.constant 0 : index
    tpu.barrier barrier_id(%barrier3A)
    %run_scoped3A = arith.constant 0 : i32
    "tpu.region"() ({
      %run_scoped3A_98 = tpu.sem_alloc : memref<!tpu.dma_semaphore, #tpu.memory_space<semaphore_mem>>
      %dma_start3A_99 = arith.constant 0 : i32
      %dma_start3A_100 = tpu.memref_slice %arg6[%run_scoped3A, %dma_start3A_99] : memref<2x128xi32, #tpu.memory_space<vmem>> -> memref<1x128xi32, #tpu.memory_space<vmem>>
      %dma_start3A_101 = tpu.memref_squeeze %dma_start3A_100 : memref<1x128xi32, #tpu.memory_space<vmem>> -> memref<128xi32, #tpu.memory_space<vmem>>
      %dma_start3A_102 = arith.constant 0 : i32
      %dma_start3A_103 = tpu.memref_slice %arg10[%dma_start3A_102] : memref<8192xi32, #tpu.memory_space<vmem_shared>> -> memref<8192xi32, #tpu.memory_space<vmem_shared>>
      tpu.enqueue_indirect_dma source(%arg8 : memref<128xi32, #tpu.memory_space<vmem>>) target(%dma_start3A_103 : memref<8192xi32, #tpu.memory_space<vmem_shared>>) offsets(%dma_start3A_101 : memref<128xi32, #tpu.memory_space<vmem>>) semaphore(%run_scoped3A_98 : memref<!tpu.dma_semaphore, #tpu.memory_space<semaphore_mem>>) {add = true}
      %dma_wait3A_104 = arith.constant 0 : i32
      %dma_wait3A_105 = tpu.memref_slice %arg6[%run_scoped3A, %dma_wait3A_104] : memref<2x128xi32, #tpu.memory_space<vmem>> -> memref<1x128xi32, #tpu.memory_space<vmem>>
      %dma_wait3A_106 = tpu.memref_squeeze %dma_wait3A_105 : memref<1x128xi32, #tpu.memory_space<vmem>> -> memref<128xi32, #tpu.memory_space<vmem>>
      %dma_wait3A_107 = arith.constant 0 : i32
      %dma_wait3A_108 = tpu.memref_slice %arg10[%dma_wait3A_107] : memref<8192xi32, #tpu.memory_space<vmem_shared>> -> memref<8192xi32, #tpu.memory_space<vmem_shared>>
      tpu.wait_indirect_dma semaphore(%run_scoped3A_98 : memref<!tpu.dma_semaphore, #tpu.memory_space<semaphore_mem>>) src(%arg8 : memref<128xi32, #tpu.memory_space<vmem>>) dst(%dma_wait3A_108 : memref<8192xi32, #tpu.memory_space<vmem_shared>>)
      tpu.yield
    }) : () -> ()
    %run_scoped3A_70 = arith.constant 1 : i32
    "tpu.region"() ({
      %run_scoped3A_98 = tpu.sem_alloc : memref<!tpu.dma_semaphore, #tpu.memory_space<semaphore_mem>>
      %dma_start3A_99 = arith.constant 0 : i32
      %dma_start3A_100 = tpu.memref_slice %arg6[%run_scoped3A_70, %dma_start3A_99] : memref<2x128xi32, #tpu.memory_space<vmem>> -> memref<1x128xi32, #tpu.memory_space<vmem>>
      %dma_start3A_101 = tpu.memref_squeeze %dma_start3A_100 : memref<1x128xi32, #tpu.memory_space<vmem>> -> memref<128xi32, #tpu.memory_space<vmem>>
      %dma_start3A_102 = arith.constant 0 : i32
      %dma_start3A_103 = tpu.memref_slice %arg10[%dma_start3A_102] : memref<8192xi32, #tpu.memory_space<vmem_shared>> -> memref<8192xi32, #tpu.memory_space<vmem_shared>>
      tpu.enqueue_indirect_dma source(%arg8 : memref<128xi32, #tpu.memory_space<vmem>>) target(%dma_start3A_103 : memref<8192xi32, #tpu.memory_space<vmem_shared>>) offsets(%dma_start3A_101 : memref<128xi32, #tpu.memory_space<vmem>>) semaphore(%run_scoped3A_98 : memref<!tpu.dma_semaphore, #tpu.memory_space<semaphore_mem>>) {add = true}
      %dma_wait3A_104 = arith.constant 0 : i32
      %dma_wait3A_105 = tpu.memref_slice %arg6[%run_scoped3A_70, %dma_wait3A_104] : memref<2x128xi32, #tpu.memory_space<vmem>> -> memref<1x128xi32, #tpu.memory_space<vmem>>
      %dma_wait3A_106 = tpu.memref_squeeze %dma_wait3A_105 : memref<1x128xi32, #tpu.memory_space<vmem>> -> memref<128xi32, #tpu.memory_space<vmem>>
      %dma_wait3A_107 = arith.constant 0 : i32
      %dma_wait3A_108 = tpu.memref_slice %arg10[%dma_wait3A_107] : memref<8192xi32, #tpu.memory_space<vmem_shared>> -> memref<8192xi32, #tpu.memory_space<vmem_shared>>
      tpu.wait_indirect_dma semaphore(%run_scoped3A_98 : memref<!tpu.dma_semaphore, #tpu.memory_space<semaphore_mem>>) src(%arg8 : memref<128xi32, #tpu.memory_space<vmem>>) dst(%dma_wait3A_108 : memref<8192xi32, #tpu.memory_space<vmem_shared>>)
      tpu.yield
    }) : () -> ()
    %barrier3A_71 = arith.constant 0 : index
    tpu.barrier barrier_id(%barrier3A_71)
    %eq3A_72 = arith.constant 0 : i32
    %eq3A_73 = arith.cmpi eq, %arg1, %eq3A_72 : i32
    %convert_element_type3A_74 = arith.extui %eq3A_73 : i1 to i32
    %cond3A_75 = arith.constant 0 : i32
    %cond3A_76 = arith.cmpi ne, %convert_element_type3A_74, %cond3A_75 : i32
    scf.if %cond3A_76 {
      "tpu.region"() ({
        %run_scoped3A_98 = tpu.sem_alloc : memref<!tpu.dma_semaphore, #tpu.memory_space<semaphore_mem>>
        %dma_start3A_99 = arith.constant 0 : i32
        %dma_start3A_100 = tpu.memref_slice %arg5[%arg0, %dma_start3A_99] : memref<2x8192xi32, #tpu.memory_space<hbm>> -> memref<1x8192xi32, #tpu.memory_space<hbm>>
        %dma_start3A_101 = tpu.memref_squeeze %dma_start3A_100 : memref<1x8192xi32, #tpu.memory_space<hbm>> -> memref<8192xi32, #tpu.memory_space<hbm>>
        tpu.enqueue_dma source(%arg10 : memref<8192xi32, #tpu.memory_space<vmem_shared>>) target(%dma_start3A_101 : memref<8192xi32, #tpu.memory_space<hbm>>) target_semaphore(%run_scoped3A_98 : memref<!tpu.dma_semaphore, #tpu.memory_space<semaphore_mem>>)
        %dma_wait3A_102 = arith.constant 0 : i32
        %dma_wait3A_103 = tpu.memref_slice %arg5[%arg0, %dma_wait3A_102] : memref<2x8192xi32, #tpu.memory_space<hbm>> -> memref<1x8192xi32, #tpu.memory_space<hbm>>
        %dma_wait3A_104 = tpu.memref_squeeze %dma_wait3A_103 : memref<1x8192xi32, #tpu.memory_space<hbm>> -> memref<8192xi32, #tpu.memory_space<hbm>>
        tpu.wait_dma2 semaphore(%run_scoped3A_98 : memref<!tpu.dma_semaphore, #tpu.memory_space<semaphore_mem>>) src(%arg10 : memref<8192xi32, #tpu.memory_space<vmem_shared>>) dst(%dma_wait3A_104 : memref<8192xi32, #tpu.memory_space<hbm>>)
        tpu.yield
      }) : () -> ()
    } else {
    }
    %dma_wait3A = arith.constant 0 : i32
    %dma_wait3A_77 = arith.constant 0 : i32
    %dma_wait3A_78 = arith.constant 0 : i32
    %dma_wait3A_79 = tpu.memref_slice %arg7[%dma_wait3A_77, %dma_wait3A_78] : memref<256x32xf32, #tpu.memory_space<vmem>> -> memref<128x32xf32, #tpu.memory_space<vmem>>
    %dma_wait3A_80 = arith.constant 0 : i32
    %dma_wait3A_81 = tpu.memref_slice %arg6[%dma_wait3A, %dma_wait3A_80] : memref<2x128xi32, #tpu.memory_space<vmem>> -> memref<1x128xi32, #tpu.memory_space<vmem>>
    %dma_wait3A_82 = tpu.memref_squeeze %dma_wait3A_81 : memref<1x128xi32, #tpu.memory_space<vmem>> -> memref<128xi32, #tpu.memory_space<vmem>>
    %dma_wait3A_83 = arith.constant 0 : i32
    %dma_wait3A_84 = arith.constant 0 : i32
    %dma_wait3A_85 = tpu.memref_slice %arg3[%dma_wait3A_83, %dma_wait3A_84] : memref<8192x32xf32, #tpu.memory_space<hbm>> -> memref<8192x32xf32, #tpu.memory_space<hbm>>
    tpu.wait_indirect_dma semaphore(%arg11 : memref<!tpu.dma_semaphore, #tpu.memory_space<semaphore_mem>>) src(%dma_wait3A_85 : memref<8192x32xf32, #tpu.memory_space<hbm>>) dst(%dma_wait3A_79 : memref<128x32xf32, #tpu.memory_space<vmem>>)
    %dma_wait3A_86 = arith.constant 1 : i32
    %dma_wait3A_87 = arith.constant 128 : i32
    %dma_wait3A_88 = arith.constant 0 : i32
    %dma_wait3A_89 = tpu.memref_slice %arg7[%dma_wait3A_87, %dma_wait3A_88] : memref<256x32xf32, #tpu.memory_space<vmem>> -> memref<128x32xf32, #tpu.memory_space<vmem>>
    %dma_wait3A_90 = arith.constant 0 : i32
    %dma_wait3A_91 = tpu.memref_slice %arg6[%dma_wait3A_86, %dma_wait3A_90] : memref<2x128xi32, #tpu.memory_space<vmem>> -> memref<1x128xi32, #tpu.memory_space<vmem>>
    %dma_wait3A_92 = tpu.memref_squeeze %dma_wait3A_91 : memref<1x128xi32, #tpu.memory_space<vmem>> -> memref<128xi32, #tpu.memory_space<vmem>>
    %dma_wait3A_93 = arith.constant 0 : i32
    %dma_wait3A_94 = arith.constant 0 : i32
    %dma_wait3A_95 = tpu.memref_slice %arg3[%dma_wait3A_93, %dma_wait3A_94] : memref<8192x32xf32, #tpu.memory_space<hbm>> -> memref<8192x32xf32, #tpu.memory_space<hbm>>
    tpu.wait_indirect_dma semaphore(%arg11 : memref<!tpu.dma_semaphore, #tpu.memory_space<semaphore_mem>>) src(%dma_wait3A_95 : memref<8192x32xf32, #tpu.memory_space<hbm>>) dst(%dma_wait3A_89 : memref<128x32xf32, #tpu.memory_space<vmem>>)
    %mul3A_96 = arith.constant 256 : i32
    %mul3A_97 = arith.muli %add3A, %mul3A_96 : i32
    "tpu.region"() ({
      %run_scoped3A_98 = tpu.sem_alloc : memref<!tpu.dma_semaphore, #tpu.memory_space<semaphore_mem>>
      %dma_start3A_99 = arith.constant 0 : i32
      %dma_start3A_100 = tpu.memref_slice %arg4[%mul3A_97, %dma_start3A_99] : memref<8192x32xf32, #tpu.memory_space<hbm>> -> memref<256x32xf32, #tpu.memory_space<hbm>>
      %dma_start3A_101 = arith.constant 0 : i32
      %dma_start3A_102 = tpu.memref_slice %arg4[%mul3A_97, %dma_start3A_101] : memref<8192x32xf32, #tpu.memory_space<hbm>> -> memref<256x32xf32, #tpu.memory_space<hbm>>
      tpu.enqueue_dma source(%arg7 : memref<256x32xf32, #tpu.memory_space<vmem>>) target(%dma_start3A_102 : memref<256x32xf32, #tpu.memory_space<hbm>>) target_semaphore(%run_scoped3A_98 : memref<!tpu.dma_semaphore, #tpu.memory_space<semaphore_mem>>)
      %dma_wait3A_103 = arith.constant 0 : i32
      %dma_wait3A_104 = tpu.memref_slice %arg4[%mul3A_97, %dma_wait3A_103] : memref<8192x32xf32, #tpu.memory_space<hbm>> -> memref<256x32xf32, #tpu.memory_space<hbm>>
      %dma_wait3A_105 = arith.constant 0 : i32
      %dma_wait3A_106 = tpu.memref_slice %arg4[%mul3A_97, %dma_wait3A_105] : memref<8192x32xf32, #tpu.memory_space<hbm>> -> memref<256x32xf32, #tpu.memory_space<hbm>>
      tpu.wait_dma2 semaphore(%run_scoped3A_98 : memref<!tpu.dma_semaphore, #tpu.memory_space<semaphore_mem>>) src(%arg7 : memref<256x32xf32, #tpu.memory_space<vmem>>) dst(%dma_wait3A_106 : memref<256x32xf32, #tpu.memory_space<hbm>>)
      tpu.yield
    }) : () -> ()
    return
  }
}

module attributes {stable_mosaic.version = 14 : i64} {
  func.func @_k1_body(%arg0: i32, %arg1: i32, %arg2: memref<2x32x1024xf32, #tpu.memory_space<vmem>>, %arg3: memref<2048x32xf32, #tpu.memory_space<vmem>>, %arg4: memref<2048x1xf32, #tpu.memory_space<vmem>>, %arg5: memref<8x2048xf32, #tpu.memory_space<vmem>>, %arg6: memref<8x2048xf32, #tpu.memory_space<vmem>>, %arg7: memref<2048x1xi32, #tpu.memory_space<vmem>>, %arg8: memref<2048x1xf32, #tpu.memory_space<vmem>>) attributes {dimension_semantics = [#tpu.dimension_semantics<arbitrary>, #tpu.dimension_semantics<arbitrary>], iteration_bounds = array<i64: 4, 4>, scalar_prefetch = 0 : i64, scratch_operands = 0 : i64, tpu.core_type = #tpu.core_type<tc>, window_params = [{transform_indices = @transform_0, window_bounds = array<i64: 2, 32, 1024>}, {transform_indices = @transform_1, window_bounds = array<i64: 2048, 32>}, {transform_indices = @transform_2, window_bounds = array<i64: 2048, 1>}, {transform_indices = @transform_3, window_bounds = array<i64: 8, 2048>}, {transform_indices = @transform_4, window_bounds = array<i64: 8, 2048>}, {transform_indices = @transform_5, window_bounds = array<i64: 2048, 1>}, {transform_indices = @transform_6, window_bounds = array<i64: 2048, 1>}]} {
    %get3A = arith.constant 0 : index
    %get3A_0 = arith.constant 0 : index
    %get3A_1 = arith.constant 0 : index
    %get3A_2 = vector.load %arg2[%get3A, %get3A_0, %get3A_1] : memref<2x32x1024xf32, #tpu.memory_space<vmem>>, vector<1x32x1024xf32>
    %get3A_3 = vector.shape_cast %get3A_2 : vector<1x32x1024xf32> to vector<32x1024xf32>
    %transpose3A = tpu.transpose %get3A_3, [1, 0] : vector<32x1024xf32> -> vector<1024x32xf32>
    %get3A_4 = arith.constant 1 : index
    %get3A_5 = arith.constant 0 : index
    %get3A_6 = arith.constant 0 : index
    %get3A_7 = vector.load %arg2[%get3A_4, %get3A_5, %get3A_6] : memref<2x32x1024xf32, #tpu.memory_space<vmem>>, vector<1x32x1024xf32>
    %get3A_8 = vector.shape_cast %get3A_7 : vector<1x32x1024xf32> to vector<32x1024xf32>
    %transpose3A_9 = tpu.transpose %get3A_8, [1, 0] : vector<32x1024xf32> -> vector<1024x32xf32>
    %concatenate3A = tpu.concatenate %transpose3A, %transpose3A_9 in 0 : vector<1024x32xf32>, vector<1024x32xf32> -> vector<2048x32xf32>
    %convert_element_type3A = arith.truncf %concatenate3A : vector<2048x32xf32> to vector<2048x32xbf16>
    %get3A_10 = arith.constant 0 : index
    %get3A_11 = arith.constant 0 : index
    %get3A_12 = vector.load %arg3[%get3A_10, %get3A_11] : memref<2048x32xf32, #tpu.memory_space<vmem>>, vector<2048x32xf32>
    %get3A_13 = arith.constant 0 : index
    %get3A_14 = arith.constant 0 : index
    %get3A_15 = vector.load %arg4[%get3A_13, %get3A_14] : memref<2048x1xf32, #tpu.memory_space<vmem>>, vector<2048x1xf32>
    %get3A_16 = arith.constant 0 : index
    %get3A_17 = arith.constant 0 : index
    %get3A_18 = vector.load %arg5[%get3A_16, %get3A_17] : memref<8x2048xf32, #tpu.memory_space<vmem>>, vector<1x2048xf32>
    %get3A_19 = arith.constant 0 : index
    %get3A_20 = arith.constant 0 : index
    %get3A_21 = vector.load %arg6[%get3A_19, %get3A_20] : memref<8x2048xf32, #tpu.memory_space<vmem>>, vector<1x2048xf32>
    %dot_general3A = arith.constant dense<0.000000e+00> : vector<2048x2048xf32>
    %dot_general3A_22 = tpu.matmul %convert_element_type3A, %get3A_12, %dot_general3A {dimension_numbers = #tpu.dot_dimension_numbers<[1], [1], [0], [0], [0, 0, 1, 0], [], []>, transpose_lhs_hint = false} : vector<2048x32xbf16>, vector<2048x32xf32>, vector<2048x2048xf32> -> vector<2048x2048xf32>
    %sub3A = vector.broadcast %get3A_15 : vector<2048x1xf32> to vector<2048x2048xf32>
    %sub3A_23 = arith.subf %sub3A, %dot_general3A_22 : vector<2048x2048xf32>
    %add3A = vector.broadcast %get3A_18 : vector<1x2048xf32> to vector<2048x2048xf32>
    %add3A_24 = arith.addf %sub3A_23, %add3A : vector<2048x2048xf32>
    %max3A = arith.constant 0.000000e+00 : f32
    %max3A_25 = vector.broadcast %max3A : f32 to vector<2048x2048xf32>
    %max3A_26 = arith.maximumf %add3A_24, %max3A_25 : vector<2048x2048xf32>
    %sqrt3A = math.sqrt %max3A_26 : vector<2048x2048xf32>
    %reduce_min3A = arith.constant dense<0x7F800000> : vector<2048xf32>
    %reduce_min3A_27 = vector.multi_reduction <minimumf>, %sqrt3A, %reduce_min3A [1] : vector<2048x2048xf32> to vector<2048xf32>
    %broadcast_in_dim3A = vector.shape_cast %reduce_min3A_27 : vector<2048xf32> to vector<2048x1xf32>
    %eq3A = vector.broadcast %broadcast_in_dim3A : vector<2048x1xf32> to vector<2048x2048xf32>
    %eq3A_28 = arith.cmpf oeq, %sqrt3A, %eq3A : vector<2048x2048xf32>
    %jit3A = arith.constant 3.000000e+38 : f32
    %broadcast_in_dim3A_29 = vector.shape_cast %get3A_21 : vector<1x2048xf32> to vector<1x2048xf32>
    %broadcast_in_dim3A_30 = vector.broadcast %broadcast_in_dim3A_29 : vector<1x2048xf32> to vector<2048x2048xf32>
    %broadcast_in_dim3A_31 = vector.broadcast %jit3A : f32 to vector<2048x2048xf32>
    %select_n3A = arith.select %eq3A_28, %broadcast_in_dim3A_30, %broadcast_in_dim3A_31 : vector<2048x2048xi1>, vector<2048x2048xf32>
    %reduce_min3A_32 = arith.constant dense<0x7F800000> : vector<2048xf32>
    %reduce_min3A_33 = vector.multi_reduction <minimumf>, %select_n3A, %reduce_min3A_32 [1] : vector<2048x2048xf32> to vector<2048xf32>
    %broadcast_in_dim3A_34 = vector.shape_cast %reduce_min3A_33 : vector<2048xf32> to vector<2048x1xf32>
    %convert_element_type3A_35 = arith.fptosi %broadcast_in_dim3A_34 : vector<2048x1xf32> to vector<2048x1xi32>
    %eq3A_36 = arith.constant 0 : i32
    %eq3A_37 = arith.cmpi eq, %arg1, %eq3A_36 : i32
    %convert_element_type3A_38 = arith.extui %eq3A_37 : i1 to i32
    %cond3A = arith.constant 0 : i32
    %cond3A_39 = arith.cmpi ne, %convert_element_type3A_38, %cond3A : i32
    scf.if %cond3A_39 {
      %convert_element_type3A_44 = arith.truncf %broadcast_in_dim3A : vector<2048x1xf32> to vector<2048x1xbf16>
      %convert_element_type3A_45 = arith.extf %convert_element_type3A_44 : vector<2048x1xbf16> to vector<2048x1xf32>
      %swap3A = arith.constant 0 : index
      %swap3A_46 = arith.constant 0 : index
      %swap3A_47 = vector.load %arg8[%swap3A, %swap3A_46] : memref<2048x1xf32, #tpu.memory_space<vmem>>, vector<2048x1xf32>
      tpu.vector_store %arg8[%swap3A, %swap3A_46], %convert_element_type3A_45 {strides = array<i32>} : memref<2048x1xf32, #tpu.memory_space<vmem>>, vector<2048x1xf32>,
      %swap3A_48 = arith.constant 0 : index
      %swap3A_49 = arith.constant 0 : index
      %swap3A_50 = vector.load %arg7[%swap3A_48, %swap3A_49] : memref<2048x1xi32, #tpu.memory_space<vmem>>, vector<2048x1xi32>
      tpu.vector_store %arg7[%swap3A_48, %swap3A_49], %convert_element_type3A_35 {strides = array<i32>} : memref<2048x1xi32, #tpu.memory_space<vmem>>, vector<2048x1xi32>,
    } else {
    }
    %gt3A = arith.constant 0 : i32
    %gt3A_40 = arith.cmpi sgt, %arg1, %gt3A : i32
    %convert_element_type3A_41 = arith.extui %gt3A_40 : i1 to i32
    %cond3A_42 = arith.constant 0 : i32
    %cond3A_43 = arith.cmpi ne, %convert_element_type3A_41, %cond3A_42 : i32
    scf.if %cond3A_43 {
      %get3A_44 = arith.constant 0 : index
      %get3A_45 = arith.constant 0 : index
      %get3A_46 = vector.load %arg8[%get3A_44, %get3A_45] : memref<2048x1xf32, #tpu.memory_space<vmem>>, vector<2048x1xf32>
      %lt3A = arith.cmpf olt, %broadcast_in_dim3A, %get3A_46 : vector<2048x1xf32>
      %get3A_47 = arith.constant 0 : index
      %get3A_48 = arith.constant 0 : index
      %get3A_49 = vector.load %arg7[%get3A_47, %get3A_48] : memref<2048x1xi32, #tpu.memory_space<vmem>>, vector<2048x1xi32>
      %select_n3A_50 = arith.select %lt3A, %convert_element_type3A_35, %get3A_49 : vector<2048x1xi1>, vector<2048x1xi32>
      %swap3A = arith.constant 0 : index
      %swap3A_51 = arith.constant 0 : index
      %swap3A_52 = vector.load %arg7[%swap3A, %swap3A_51] : memref<2048x1xi32, #tpu.memory_space<vmem>>, vector<2048x1xi32>
      tpu.vector_store %arg7[%swap3A, %swap3A_51], %select_n3A_50 {strides = array<i32>} : memref<2048x1xi32, #tpu.memory_space<vmem>>, vector<2048x1xi32>,
      %get3A_53 = arith.constant 0 : index
      %get3A_54 = arith.constant 0 : index
      %get3A_55 = vector.load %arg8[%get3A_53, %get3A_54] : memref<2048x1xf32, #tpu.memory_space<vmem>>, vector<2048x1xf32>
      %select_n3A_56 = arith.select %lt3A, %broadcast_in_dim3A, %get3A_55 : vector<2048x1xi1>, vector<2048x1xf32>
      %convert_element_type3A_57 = arith.truncf %select_n3A_56 : vector<2048x1xf32> to vector<2048x1xbf16>
      %convert_element_type3A_58 = arith.extf %convert_element_type3A_57 : vector<2048x1xbf16> to vector<2048x1xf32>
      %swap3A_59 = arith.constant 0 : index
      %swap3A_60 = arith.constant 0 : index
      %swap3A_61 = vector.load %arg8[%swap3A_59, %swap3A_60] : memref<2048x1xf32, #tpu.memory_space<vmem>>, vector<2048x1xf32>
      tpu.vector_store %arg8[%swap3A_59, %swap3A_60], %convert_element_type3A_58 {strides = array<i32>} : memref<2048x1xf32, #tpu.memory_space<vmem>>, vector<2048x1xf32>,
    } else {
    }
    return
  }
  func.func @transform_0(%arg0: i32, %arg1: i32) -> (i32, i32, i32) {
    %c0_i32 = arith.constant 0 : i32
    %c0_i32_0 = arith.constant 0 : i32
    %c0_i32_1 = arith.constant 0 : i32
    return %arg0, %c0_i32, %c0_i32_0 : i32, i32, i32
  }
  func.func @transform_1(%arg0: i32, %arg1: i32) -> (i32, i32) {
    %c0_i32 = arith.constant 0 : i32
    %c0_i32_0 = arith.constant 0 : i32
    return %arg1, %c0_i32 : i32, i32
  }
  func.func @transform_2(%arg0: i32, %arg1: i32) -> (i32, i32) {
    %c0_i32 = arith.constant 0 : i32
    %c0_i32_0 = arith.constant 0 : i32
    return %arg0, %c0_i32 : i32, i32
  }
  func.func @transform_3(%arg0: i32, %arg1: i32) -> (i32, i32) {
    %c0_i32 = arith.constant 0 : i32
    %c0_i32_0 = arith.constant 0 : i32
    return %c0_i32, %arg1 : i32, i32
  }
  func.func @transform_4(%arg0: i32, %arg1: i32) -> (i32, i32) {
    %c0_i32 = arith.constant 0 : i32
    %c0_i32_0 = arith.constant 0 : i32
    return %c0_i32, %arg1 : i32, i32
  }
  func.func @transform_5(%arg0: i32, %arg1: i32) -> (i32, i32) {
    %c0_i32 = arith.constant 0 : i32
    %c0_i32_0 = arith.constant 0 : i32
    return %arg0, %c0_i32 : i32, i32
  }
  func.func @transform_6(%arg0: i32, %arg1: i32) -> (i32, i32) {
    %c0_i32 = arith.constant 0 : i32
    %c0_i32_0 = arith.constant 0 : i32
    return %arg0, %c0_i32 : i32, i32
  }
}

module attributes {stable_mosaic.version = 14 : i64} {
  func.func @_k3_body(%arg0: i32, %arg1: memref<1x32x1024xf32, #tpu.memory_space<vmem>>, %arg2: memref<1024x32xf32, #tpu.memory_space<vmem>>, %arg3: memref<2x8192xi32, #tpu.memory_space<vmem>>, %arg4: memref<1x32x1024xf32, #tpu.memory_space<vmem>>, %arg5: memref<1x1xf32, #tpu.memory_space<vmem>>, %arg6: memref<1x1xf32, #tpu.memory_space<vmem>>, %arg7: memref<1x1xf32, #tpu.memory_space<smem>>) attributes {dimension_semantics = [#tpu.dimension_semantics<arbitrary>], iteration_bounds = array<i64: 8>, scalar_prefetch = 0 : i64, scratch_operands = 1 : i64, tpu.core_type = #tpu.core_type<tc>, window_params = [{transform_indices = @transform_0, window_bounds = array<i64: 1, 32, 1024>}, {transform_indices = @transform_1, window_bounds = array<i64: 1024, 32>}, {pipeline_mode = #tpu.pipeline_mode<synchronous>, transform_indices = @transform_2, window_bounds = array<i64: 2, 8192>}, {transform_indices = @transform_3, window_bounds = array<i64: 1, 32, 1024>}, {pipeline_mode = #tpu.pipeline_mode<synchronous>, transform_indices = @transform_4, window_bounds = array<i64: 1, 1>}, {pipeline_mode = #tpu.pipeline_mode<synchronous>, transform_indices = @transform_5, window_bounds = array<i64: 1, 1>}]} {
    %get3A = arith.constant 0 : index
    %get3A_0 = arith.constant 0 : index
    %get3A_1 = arith.constant 0 : index
    %get3A_2 = vector.load %arg1[%get3A, %get3A_0, %get3A_1] : memref<1x32x1024xf32, #tpu.memory_space<vmem>>, vector<1x32x1024xf32>
    %get3A_3 = vector.shape_cast %get3A_2 : vector<1x32x1024xf32> to vector<32x1024xf32>
    %get3A_4 = arith.constant 0 : index
    %get3A_5 = arith.constant 0 : index
    %get3A_6 = vector.load %arg2[%get3A_4, %get3A_5] : memref<1024x32xf32, #tpu.memory_space<vmem>>, vector<1024x32xf32>
    %transpose3A = tpu.transpose %get3A_6, [1, 0] : vector<1024x32xf32> -> vector<32x1024xf32>
    %sub3A = arith.subf %transpose3A, %get3A_3 : vector<32x1024xf32>
    %add3A = arith.addf %get3A_3, %sub3A : vector<32x1024xf32>
    %broadcast_in_dim3A = vector.shape_cast %add3A : vector<32x1024xf32> to vector<1x32x1024xf32>
    %swap3A = arith.constant 0 : index
    %swap3A_7 = arith.constant 0 : index
    %swap3A_8 = arith.constant 0 : index
    %swap3A_9 = vector.load %arg4[%swap3A, %swap3A_7, %swap3A_8] : memref<1x32x1024xf32, #tpu.memory_space<vmem>>, vector<1x32x1024xf32>
    tpu.vector_store %arg4[%swap3A, %swap3A_7, %swap3A_8], %broadcast_in_dim3A {strides = array<i32>} : memref<1x32x1024xf32, #tpu.memory_space<vmem>>, vector<1x32x1024xf32>,
    %mul3A = arith.mulf %sub3A, %sub3A : vector<32x1024xf32>
    %reduce_sum3A = vector.shape_cast %mul3A : vector<32x1024xf32> to vector<1x32x1024xf32>
    %reduce_sum3A_10 = arith.constant dense<0.000000e+00> : vector<1xf32>
    %reduce_sum3A_11 = vector.multi_reduction <add>, %reduce_sum3A, %reduce_sum3A_10 [1, 2] : vector<1x32x1024xf32> to vector<1xf32>
    %reduce_sum3A_12 = vector.shape_cast %reduce_sum3A_11 : vector<1xf32> to vector<1x1x1xf32>
    %reduce_sum3A_13 = vector.extract %reduce_sum3A_12[0, 0, 0] : f32 from vector<1x1x1xf32>
    %eq3A = arith.constant 0 : i32
    %eq3A_14 = arith.cmpi eq, %arg0, %eq3A : i32
    %convert_element_type3A = arith.extui %eq3A_14 : i1 to i32
    %cond3A = arith.constant 0 : i32
    %cond3A_15 = arith.cmpi ne, %convert_element_type3A, %cond3A : i32
    scf.if %cond3A_15 {
      %swap3A_25 = arith.constant 0 : index
      %swap3A_26 = arith.constant 0 : index
      %swap3A_27 = memref.load %arg7[%swap3A_25, %swap3A_26] : memref<1x1xf32, #tpu.memory_space<smem>>
      memref.store %reduce_sum3A_13, %arg7[%swap3A_25, %swap3A_26] : memref<1x1xf32, #tpu.memory_space<smem>>
    } else {
    }
    %gt3A = arith.constant 0 : i32
    %gt3A_16 = arith.cmpi sgt, %arg0, %gt3A : i32
    %convert_element_type3A_17 = arith.extui %gt3A_16 : i1 to i32
    %cond3A_18 = arith.constant 0 : i32
    %cond3A_19 = arith.cmpi ne, %convert_element_type3A_17, %cond3A_18 : i32
    scf.if %cond3A_19 {
      %get3A_25 = arith.constant 0 : index
      %get3A_26 = arith.constant 0 : index
      %get3A_27 = memref.load %arg7[%get3A_25, %get3A_26] : memref<1x1xf32, #tpu.memory_space<smem>>
      %add3A_28 = arith.addf %get3A_27, %reduce_sum3A_13 : f32
      %swap3A_29 = arith.constant 0 : index
      %swap3A_30 = arith.constant 0 : index
      %swap3A_31 = memref.load %arg7[%swap3A_29, %swap3A_30] : memref<1x1xf32, #tpu.memory_space<smem>>
      memref.store %add3A_28, %arg7[%swap3A_29, %swap3A_30] : memref<1x1xf32, #tpu.memory_space<smem>>
    } else {
    }
    %eq3A_20 = arith.constant 7 : i32
    %eq3A_21 = arith.cmpi eq, %arg0, %eq3A_20 : i32
    %convert_element_type3A_22 = arith.extui %eq3A_21 : i1 to i32
    %cond3A_23 = arith.constant 0 : i32
    %cond3A_24 = arith.cmpi ne, %convert_element_type3A_22, %cond3A_23 : i32
    scf.if %cond3A_24 {
      %get3A_25 = arith.constant 0 : index
      %get3A_26 = arith.constant 0 : index
      %get3A_27 = memref.load %arg7[%get3A_25, %get3A_26] : memref<1x1xf32, #tpu.memory_space<smem>>
      %mul3A_28 = arith.constant 3.81469727E-6 : f32
      %mul3A_29 = arith.mulf %get3A_27, %mul3A_28 : f32
      %mul3A_30 = arith.constant 2.500000e-01 : f32
      %mul3A_31 = arith.mulf %mul3A_30, %mul3A_29 : f32
      %add3A_32 = arith.addf %mul3A_29, %mul3A_31 : f32
      %reshape3A = vector.broadcast %add3A_32 : f32 to vector<1x1xf32>
      %swap3A_33 = arith.constant 0 : index
      %swap3A_34 = arith.constant 0 : index
      %swap3A_35 = vector.load %arg5[%swap3A_33, %swap3A_34] : memref<1x1xf32, #tpu.memory_space<vmem>>, vector<1x1xf32>
      tpu.vector_store %arg5[%swap3A_33, %swap3A_34], %reshape3A {strides = array<i32>} : memref<1x1xf32, #tpu.memory_space<vmem>>, vector<1x1xf32>,
      %get3A_36 = arith.constant 0 : index
      %get3A_37 = arith.constant 0 : index
      %get3A_38 = vector.load %arg3[%get3A_36, %get3A_37] : memref<2x8192xi32, #tpu.memory_space<vmem>>, vector<1x8192xi32>
      %get3A_39 = arith.constant 1 : index
      %get3A_40 = arith.constant 0 : index
      %get3A_41 = vector.load %arg3[%get3A_39, %get3A_40] : memref<2x8192xi32, #tpu.memory_space<vmem>>, vector<1x8192xi32>
      %add3A_42 = arith.addi %get3A_38, %get3A_41 : vector<1x8192xi32>
      %convert_element_type3A_43 = arith.sitofp %add3A_42 : vector<1x8192xi32> to vector<1x8192xf32>
      %mul3A_44 = arith.constant 1.22070313E-4 : f32
      %mul3A_45 = vector.broadcast %mul3A_44 : f32 to vector<1x8192xf32>
      %mul3A_46 = arith.mulf %convert_element_type3A_43, %mul3A_45 : vector<1x8192xf32>
      %add3A_47 = arith.constant 1.000000e-10 : f32
      %add3A_48 = vector.broadcast %add3A_47 : f32 to vector<1x8192xf32>
      %add3A_49 = arith.addf %mul3A_46, %add3A_48 : vector<1x8192xf32>
      %log3A = math.log %add3A_49 : vector<1x8192xf32>
      %mul3A_50 = arith.mulf %mul3A_46, %log3A : vector<1x8192xf32>
      %reduce_sum3A_51 = vector.shape_cast %mul3A_50 : vector<1x8192xf32> to vector<1x1x8192xf32>
      %reduce_sum3A_52 = arith.constant dense<0.000000e+00> : vector<1xf32>
      %reduce_sum3A_53 = vector.multi_reduction <add>, %reduce_sum3A_51, %reduce_sum3A_52 [1, 2] : vector<1x1x8192xf32> to vector<1xf32>
      %reduce_sum3A_54 = vector.shape_cast %reduce_sum3A_53 : vector<1xf32> to vector<1x1x1xf32>
      %reduce_sum3A_55 = vector.extract %reduce_sum3A_54[0, 0, 0] : f32 from vector<1x1x1xf32>
      %neg3A = arith.constant 0.000000e+00 : f32
      %neg3A_56 = arith.subf %neg3A, %reduce_sum3A_55 : f32
      %exp3A = math.exp %neg3A_56 : f32
      %reshape3A_57 = vector.broadcast %exp3A : f32 to vector<1x1xf32>
      %swap3A_58 = arith.constant 0 : index
      %swap3A_59 = arith.constant 0 : index
      %swap3A_60 = vector.load %arg6[%swap3A_58, %swap3A_59] : memref<1x1xf32, #tpu.memory_space<vmem>>, vector<1x1xf32>
      tpu.vector_store %arg6[%swap3A_58, %swap3A_59], %reshape3A_57 {strides = array<i32>} : memref<1x1xf32, #tpu.memory_space<vmem>>, vector<1x1xf32>,
    } else {
    }
    return
  }
  func.func @transform_0(%arg0: i32) -> (i32, i32, i32) {
    %c0_i32 = arith.constant 0 : i32
    %c0_i32_0 = arith.constant 0 : i32
    %c0_i32_1 = arith.constant 0 : i32
    return %arg0, %c0_i32, %c0_i32_0 : i32, i32, i32
  }
  func.func @transform_1(%arg0: i32) -> (i32, i32) {
    %c0_i32 = arith.constant 0 : i32
    %c0_i32_0 = arith.constant 0 : i32
    return %arg0, %c0_i32 : i32, i32
  }
  func.func @transform_2(%arg0: i32) -> (i32, i32) {
    %c0_i32 = arith.constant 0 : i32
    %c0_i32_0 = arith.constant 0 : i32
    %c0_i32_1 = arith.constant 0 : i32
    return %c0_i32, %c0_i32_0 : i32, i32
  }
  func.func @transform_3(%arg0: i32) -> (i32, i32, i32) {
    %c0_i32 = arith.constant 0 : i32
    %c0_i32_0 = arith.constant 0 : i32
    %c0_i32_1 = arith.constant 0 : i32
    return %arg0, %c0_i32, %c0_i32_0 : i32, i32, i32
  }
  func.func @transform_4(%arg0: i32) -> (i32, i32) {
    %c0_i32 = arith.constant 0 : i32
    %c0_i32_0 = arith.constant 0 : i32
    %c0_i32_1 = arith.constant 0 : i32
    return %c0_i32, %c0_i32_0 : i32, i32
  }
  func.func @transform_5(%arg0: i32) -> (i32, i32) {
    %c0_i32 = arith.constant 0 : i32
    %c0_i32_0 = arith.constant 0 : i32
    %c0_i32_1 = arith.constant 0 : i32
    return %c0_i32, %c0_i32_0 : i32, i32
  }
}

</mosaic_0001>

<sc_bundles>
// kernel: kernel.5.cloned.1.call-start
scs
__scs_entry_jumppad:
0x0: {  	(pc) =	sbr.rel $0x88, $3  }
0x1: {  	(tag) =	ssettag $0x0;
	lr =	simm.s32 $0x1  }
0x2: {  	[smem:$0x3F9F] =	sst lr;
	_ =	strace $0xD0000000  }
0x3: {  	_ = 	snop  }
0x4: {  	_ = 	snop  }
0x5: {  	_ = 	snop  }
0x6: {  	_ = 	snop  }
0x7: {  	_ = 	snop  }
__scs_overlays_trampoline_lowered:
0x8: {  	[smem:$0x3FAE] =	sst s0  }
0x9: {  	[smem:$0x3FAF] =	sst s1  }
0xa: {  	[smem:$0x3FB0] =	sst s2  }
0xb: {  	[smem:$0x3FB1] =	sst s3  }
0xc: {  	[smem:$0x3FB2] =	sst s4  }
0xd: {  	[smem:$0x3FB3] =	sst s5  }
0xe: {  	[smem:$0x3FB4] =	sst s6  }
0xf: {  	[smem:$0x3FB5] =	sst s7  }
0x10: {  	[smem:$0x3FB6] =	sst s8  }
0x11: {  	[smem:$0x3FB7] =	sst s9;
	s0 =	simm.s32 @!p0 $0x0  }
0x12: {  	s1 =	sld [smem:$0x3F9D];
	s0 =	simm.s32 @p0 $0x1  }
0x13: {  	[smem:$0x3FB8] =	sst s0;
	s0 =	simm.s32 @!p1 $0x0  }
0x14: {  	s2 =	sld [smem:$0x3F9C];
	s0 =	simm.s32 @p1 $0x1  }
0x15: {  	[smem:$0x3FB9] =	sst s0;
	s0 =	simm.s32 @!p2 $0x0  }
0x16: {  	s3 =	sld [smem:$0x3FDB];
	s0 =	simm.s32 @p2 $0x1  }
0x17: {  	s4 =	simm.s32 $0x1BF5;
	[smem:$0x3FBB] =	sst s0  }
0x18: {  	s0 =	sld [smem:$0x3F9E];
	_ =	swait.ge [sflag:s4], $0x0  }
0x19: {  	s7 =	sld [smem:$0x3F9F]  }
0x1a: {  	s8 =	sadd.s32 $0xFFFFE003, lr  }
0x1b: {  	s9 =	sadd.s32 $0xFFFFFEF7, lr;
	s5 =	simm.s32 $0xFFFFFFFF;
	p2 =	slt.u32 s8, $0xFFFFF086  }
0x1c: {  	p1 =	slt.u32 s9, $0xF7A;
	s5 =	simm.s32 @!p2 $0x0  }
0x1d: {  	s5 =	simm.s32 @p1 $0x1;
	p0 =	seq.s32 s7, s2  }
0x1e: {  	s7 =	smul.u32 @!p0 $0xF7A, s2;
	p2 =	seq.s32 @!p0 s5, $0x0  }
0x1f: {  	s9 =	smul.u32 $0xF7A, s1;
	s8 =	simm.s32 @!p0 $0x1BF5;
	p2 =	por !p2, p0  }
0x20: {  	[sflag:s8] =	ssyncset.s32 @!p0 $0xFFFFF086;
	s6 =	sadd.s32 @!p0 s3, s7;
	s7 =	simm.s32 @!p0 $0x108  }
0x21: {  	s3 =	sadd.s32 s3, s9;
	s6 =	sadd.s32 @!p0 $0x88, s6;
	s7 =	simm.s32 @p2 $0x1082  }
0x22: {  	[simem:s7], [sflag:s8] =	dma.local @!p0 [hbm:s6], $0xF7A  }
0x23: {  	s9 =	sor.u32 $0xD0000000, s2;
	s6 =	simm.s32 $0x108;
	_ =	swait.ge @!p0 [sflag:s8], $0x0  }
0x24: {  	s3 =	sadd.s32 $0x88, s3;
	s6 =	simm.s32 @!p1 $0x1082;
	[sflag:s4] =	ssyncset.s32 $0xFFFFF086  }
0x25: {  	[simem:s6], [sflag:s4] =	dma.local [hbm:s3], $0xF7A  }
0x26: {  	[smem:$0x3F9F] =	sst s1;
	(tag) =	ssettag s2;
	_ =	strace s9  }
0x27: {  	s1 =	sld [smem:$0x3FAF]  }
0x28: {  	s2 =	sld [smem:$0x3FB0]  }
0x29: {  	s4 =	sld [smem:$0x3FB2]  }
0x2a: {  	p0 =	seq.s32 s5, $0x0;
	s5 =	sld [smem:$0x3FB3]  }
0x2b: {  	s6 =	sld [smem:$0x3FB4]  }
0x2c: {  	s7 =	sld [smem:$0x3FB5]  }
0x2d: {  	s3 =	simm.s32 $0x108;
	s8 =	sld [smem:$0x3FB6]  }
0x2e: {  	s3 =	simm.s32 @!p0 $0x1082;
	s9 =	sld [smem:$0x3FB7]  }
0x2f: {  	lr =	sadd.s32 s0, s3;
	s0 =	sld [smem:$0x3FAE]  }
0x30: {  	s3 =	sld [smem:$0x3FB1]  }
0x31: {  	[smem:$0x3FBA] =	sst s10  }
0x32: {  	s10 =	sld [smem:$0x3FB8];
	_ =	sdelay $0x3  }
0x33: {  	p0 =	seq.s32 s10, $0x1;
	s10 =	sld [smem:$0x3FBA];
	_ =	sdelay $0x3  }
0x34: {  	[smem:$0x3FBA] =	sst s10  }
0x35: {  	s10 =	sld [smem:$0x3FB9];
	_ =	sdelay $0x3  }
0x36: {  	p1 =	seq.s32 s10, $0x1;
	s10 =	sld [smem:$0x3FBA];
	_ =	sdelay $0x3  }
0x37: {  	[smem:$0x3FBA] =	sst s10  }
0x38: {  	s10 =	sld [smem:$0x3FBB]  }
0x39: {  	_ = 	snop;
	(pc) =	sbr.ind lr, $3  }
0x3a: {  	_ = 	snop  }
0x3b: {  	_ = 	snop  }
0x3c: {  	p2 =	seq.s32 s10, $0x1;
	s10 =	sld [smem:$0x3FBA]  }
0x3d: {  	_ =	shalt  }
0x3e: {  	_ =	shalt  }
0x3f: {  	_ =	shalt  }
0x40: {  	_ =	shalt  }
0x41: {  	_ =	shalt  }
0x42: {  	_ =	shalt  }
0x43: {  	_ =	shalt  }
0x44: {  	_ =	shalt  }
0x45: {  	_ =	shalt  }
0x46: {  	_ =	shalt  }
0x47: {  	_ =	shalt  }
0x48: {  	_ =	shalt  }
0x49: {  	_ =	shalt  }
0x4a: {  	_ =	shalt  }
0x4b: {  	_ =	shalt  }
0x4c: {  	_ =	shalt  }
0x4d: {  	_ =	shalt  }
0x4e: {  	_ =	shalt  }
0x4f: {  	_ =	shalt  }
0x50: {  	_ =	shalt  }
0x51: {  	_ =	shalt  }
0x52: {  	_ =	shalt  }
0x53: {  	_ =	shalt  }
0x54: {  	_ =	shalt  }
0x55: {  	_ =	shalt  }
0x56: {  	_ =	shalt  }
0x57: {  	_ =	shalt  }
0x58: {  	_ =	shalt  }
0x59: {  	_ =	shalt  }
0x5a: {  	_ =	shalt  }
0x5b: {  	_ =	shalt  }
0x5c: {  	_ =	shalt  }
0x5d: {  	_ =	shalt  }
0x5e: {  	_ =	shalt  }
0x5f: {  	_ =	shalt  }
0x60: {  	_ =	shalt  }
0x61: {  	_ =	shalt  }
0x62: {  	_ =	shalt  }
0x63: {  	_ =	shalt  }
0x64: {  	_ =	shalt  }
0x65: {  	_ =	shalt  }
0x66: {  	_ =	shalt  }
0x67: {  	_ =	shalt  }
0x68: {  	_ =	shalt  }
0x69: {  	_ =	shalt  }
0x6a: {  	_ =	shalt  }
0x6b: {  	_ =	shalt  }
0x6c: {  	_ =	shalt  }
0x6d: {  	_ =	shalt  }
0x6e: {  	_ =	shalt  }
0x6f: {  	_ =	shalt  }
0x70: {  	_ =	shalt  }
0x71: {  	_ =	shalt  }
0x72: {  	_ =	shalt  }
0x73: {  	_ =	shalt  }
0x74: {  	_ =	shalt  }
0x75: {  	_ =	shalt  }
0x76: {  	_ =	shalt  }
0x77: {  	_ =	shalt  }
0x78: {  	_ =	shalt  }
0x79: {  	_ =	shalt  }
0x7a: {  	_ =	shalt  }
0x7b: {  	_ =	shalt  }
0x7c: {  	_ =	shalt  }
0x7d: {  	_ =	shalt  }
0x7e: {  	_ =	shalt  }
0x7f: {  	_ =	shalt  }
0x80: {  	_ =	shalt  }
0x81: {  	_ =	shalt  }
0x82: {  	_ =	shalt  }
0x83: {  	_ =	shalt  }
0x84: {  	_ =	shalt  }
0x85: {  	_ =	shalt  }
0x86: {  	_ =	shalt  }
0x87: {  	_ =	shalt  }
.Lfunc_end0:
.L_simem_size_0:
called_computation_lowered:
.L_overlay_start_0:
0x88: {  	s2 =	sld [smem:$0x3FD9]  }
0x89: {  	s3 =	sld [smem:$0x3FFE];
	_ =	sdelay $0x1  }
0x8a: {  	s1 =	srdreg.scid  }
0x8b: {  	s0 =	sand.u32 $0x1, s1  }
0x8c: {  	s14 =	sshll.u32 s0, $0xA;
	s2 =	sadd.s32 s3, s2  }
0x8d: {  	s2 =	sadd.s32 s2, s14  }
0x8e: {  	[smem:$0x3FC6] =	sst s2  }
0x8f: {  	_ = 	snop  }
0x90: {  	s2 =	sld [smem:$0x3FD0];
	_ =	sdelay $0x2  }
0x91: {  	s15 =	simm.s32 $0xA;
	s4 =	simm.s32 $0x10  }
0x92: {  	[smem:s4], [sflag:s15] =	dma.local [hbm:s2], $0x1  }
0x93: {  	_ =	swait.eq [sflag:s15], $0x1  }
0x94: {  	[sflag:s15] =	ssyncset.done $0x0  }
0x95: {  	[sflag:s15] =	ssyncadd.s32 $0xFFFFFFFF  }
0x96: {  	s16 =	sld [smem:$0x10];
	(tm) =	ssettm $0x1  }
0x97: {  	s17 =	sld [smem:$0x3FFB];
	_ =	sdelay $0x3  }
0x98: {  	_ =	strace s17  }
0x99: {  	s3 =	sld [smem:$0x3FFC];
	_ =	sdelay $0x3  }
0x9a: {  	_ =	strace s3  }
0x9b: {  	s3 =	sld [smem:$0x3FFD];
	_ =	sdelay $0x3  }
0x9c: {  	_ =	strace s3  }
0x9d: {  	_ =	strace $0x8FFFFFFF  }
0x9e: {  	s18 =	sld [smem:$0x3FDB];
	_ =	sdelay $0x1  }
0x9f: {  	s19 =	simm.s32 $_scs_section_size  }
0xa0: {  	s5 =	simm.s32 $_size__tile_overlayer_lowered;
	s6 =	simm.s32 $_tile_overlayer_lowered  }
0xa1: {  	s22 =	simm.s32 $0x1BFF;
	s21 =	sshll.u32 s6, $0x1;
	s3 =	sadd.s32 s19, s18  }
0xa2: {  	s7 =	simm.s32 $0x0;
	s20 =	sshll.u32 s5, $0x1;
	s5 =	sadd.s32 s21, s3  }
0xa3: {  	[timem:s7], [sflag:s22] =	dma.local [hbm:s5], s20  }
0xa4: {  	_ =	swait.ge [sflag:s22], s20  }
0xa5: {  	s4 =	ssub.s32 $0x0, s20;
	[sflag:s22] =	ssyncset.done $0x0  }
0xa6: {  	[sflag:s22] =	ssyncadd.s32 s4;
	_ =	sdelay $0x1  }
0xa7: {  	s23 =	simm.s32 $0x1B8B  }
0xa8: {  	_ =	swait.ge [sflag:s23], $0x1  }
0xa9: {  	[sflag:s23] =	ssyncset.done $0x0  }
0xaa: {  	s25 =	simm.s32 $0x1B8E;
	s24 =	sld [smem:$0x3FFE];
	[sflag:s23] =	ssyncadd.s32 $0xFFFFFFFF  }
0xab: {  	s26 =	simm.s32 $execute0_lowered;
	[smem:$0x3FD2] =	sst s25  }
0xac: {  	s5 =	sshll.u32 s26, $0x1;
	_ =	strace $0x80000046;
	[dreg:$0x1] =	wrdreg $0xFFFFFFFF  }
0xad: {  	s28 =	simm.s32 $_size_execute0_lowered;
	s3 =	sadd.s32 s3, s5;
	[dreg:$0x0] =	wrdreg $0x0  }
0xae: {  	s5 =	sshll.u32 s28, $0x1;
	[dreg:$0x2] =	wrdreg s3  }
0xaf: {  	[dreg:$0x3] =	wrdreg s5  }
0xb0: {  	[dreg:$0x4] =	wrdreg $0xC0  }
0xb1: {  	_ =	task [dreg:s7], $0x5FFFF  }
0xb2: {  	[dreg:$0x1] =	wrdreg $0xFFFFFFFF  }
0xb3: {  	[dreg:$0x0] =	wrdreg $0x60  }
0xb4: {  	[dreg:$0x2] =	wrdreg s24  }
0xb5: {  	[dreg:$0x3] =	wrdreg s16  }
0xb6: {  	[dreg:$0x4] =	wrdreg $0x41800  }
0xb7: {  	[dreg:$0x5] =	wrdreg $0x9  }
0xb8: {  	_ =	task.clear_ibuf [dreg:s7], $0x6FFFF;
	_ =	strace $0x90000046  }
0xb9: {  	s29 =	simm.s32 $0x9;
	_ =	strace $0x80000048  }
0xba: {  	_ =	swait.ge [sflag:s29], $0x1  }
0xbb: {  	[sflag:s29] =	ssyncadd.s32 $0xFFFFFFFF  }
0xbc: {  	_ =	strace $0x90000048  }
0xbd: {  	_ =	sfence  }
0xbe: {  	s30 =	sld [smem:$0x0];
	_ =	sdelay $0x2  }
0xbf: {  	s31 =	sshll.u32 s1, $0xD;
	s1 =	sshrl.u32 s1, $0x2  }
0xc0: {  	s3 =	sand.u32 $0x4000, s31;
	s1 =	sadd.s32 s1, s30  }
0xc1: {  	s0 =	sor.u32 s3, s0;
	s1 =	sshll.u32 s1, $0x11  }
0xc2: {  	s0 =	sor.u32 s1, s0  }
0xc3: {  	s0 =	sadd.s32 $0x8F2B, s0  }
0xc4: {  	[sflag:s0] =	ssyncadd.remote.s32 $0x1  }
0xc5: {  	_ =	sfence.sel $0xFFFF  }
0xc6: {  	[dreg:$0x0] =	wrdreg $0xFFFFFFFF;
	(pc) =	sbr.abs _section_cstart, $3  }
0xc7: {  	[dreg:$0x1] =	wrdreg $0xFFFFFFFF  }
0xc8: {  	_ =	task.clear_ibuf [dreg:s7], $0x2FFFF;
	_ =	strace $0x9FFFFFFF  }
0xc9: {  	(tm) =	ssettm $0x7FFFFFFF  }
tec
execute0_lowered:
.L_overlay_start_1:
0x0: {  	(tag) =	ssettag $0x1  }
0x1: {  	s4 =	rddreg [dreg:$0x0]  }
0x2: {  	s1 =	rddreg [dreg:$0x1]  }
0x3: {  	s2 =	rddreg [dreg:$0x2]  }
0x4: {  	s0 =	rddreg [dreg:$0x3];
	s5 =	srdreg.scid  }
0x5: {  	s8 =	stileid.u32;
	s3 =	simm.s32 $0x0;
	s11 =	simm.s32 $0x1100  }
0x6: {  	s12 =	simm.s32 $0x2180;
	s13 =	simm.s32 $0x2100;
	s15 =	simm.s32 $0x1  }
0x7: {  	s16 =	simm.s32 $0x0;
	s5 =	sand.u32 $0x1, s5;
	s6 =	sshll.u32 s8, $0x1  }
0x8: {  	[smem:$0x7FF] =	sst s3;
	p0 =	sne.s32 s8, $0x0;
	s8 =	simm.s32 $0x2  }
0x9: {  	s6 =	sor.u32 s5, s6;
	_ =	strace $0x80000047;
	s9 =	sshll.u32 s5, $0xA  }
.Ltmp0:
0xa: {  	s5 =	ssub.s32 $0x2, s5;
	s14 =	sshrl.u32 @!p0 s2, $0x3;
	(pc) =	sbr.rel .LBB2_1-.Ltmp0, $4  }
0xb: {  	s7 =	sshll.u32 s6, $0xA;
	s9 =	sadd.s32 s9, s4;
	s10 =	sshrl.u32 s5, $0x1  }
0xc: {  	s6 =	sshll.u32 s6, $0x5;
	s7 =	sadd.s32 s7, s4;
	s10 =	ssub.s32 s5, s10  }
0xd: {  	s4 =	sadd.s32 s4, s6;
	s5 =	sadd.s32 $0x400, s9;
	s9 =	simm.s32 $0x80  }
0xe: {  	v0 =	vimm.s32 $0x0;
	v1 =	vimm.s32 $0x1;
	s6 =	sadd.s32 $0xC00, s7;
	s7 =	smax.u32 s10, $0x1;
	s10 =	simm.s32 $0x100  }
.LBB2_5:
0xf: {  	[tilespmem:$0x2100] =	vst v1  }
0x10: {  	[tilespmem:$0x2110] =	vst v1  }
0x11: {  	[tilespmem:$0x2120] =	vst v1  }
0x12: {  	[tilespmem:$0x2130] =	vst v1  }
0x13: {  	[tilespmem:$0x2140] =	vst v1  }
0x14: {  	[tilespmem:$0x2150] =	vst v1  }
0x15: {  	[tilespmem:$0x2160] =	vst v1  }
0x16: {  	[tilespmem:$0x2170] =	vst v1  }
0x17: {  	[bflag:$0x0] =	sbarrier.arrive $0xFFFF  }
0x18: {  	[spmem:s2] =	stream.indirect.scatter.add.s32 [tilespmem:s13], [sflag:$0x2], $0x1, s3, s9, $0xb8;
	[tilespmem:$0x4380] =	vst v63  }
0x19: {  	_ =	swait.ge [sflag:s8], $0x80  }
0x1a: {  	[sflag:s8] =	ssyncset.done $0x0  }
0x1b: {  	[sflag:s8] =	ssyncadd.s32 $0xFFFFFF80  }
0x1c: {  	[spmem:s2] =	stream.indirect.scatter.add.s32 [tilespmem:s13], [sflag:$0x2], $0x1, s9, s9, $0xb8;
	[tilespmem:$0x4380] =	vst v63  }
0x1d: {  	_ =	swait.ge [sflag:s8], $0x80  }
0x1e: {  	[sflag:s8] =	ssyncset.done $0x0  }
0x1f: {  	[sflag:s8] =	ssyncadd.s32 $0xFFFFFF80  }
0x20: {  	s17 =	simm.s32 @!p0 $0x1C02;
	[bflag:$0x0] =	sbarrier.arrive $0xFFFF  }
0x21: {  	[hbm:s5], [sflag:s17] =	dma.local @!p0 [spmem:s14], $0x400  }
0x22: {  	s17 =	simm.s32 @!p0 $0x2  }
0x23: {  	_ =	swait.ge @!p0 [sflag:s17], $0x400  }
0x24: {  	[sflag:s17] =	ssyncset.done @!p0 $0x0  }
0x25: {  	[sflag:s17] =	ssyncadd.s32 @!p0 $0xFFFFFC00  }
0x26: {  	_ =	swait.ge [sflag:s15], $0x1000  }
0x27: {  	[sflag:s15] =	ssyncset.done $0x0  }
0x28: {  	[sflag:s15] =	ssyncadd.s32 $0xFFFFF000  }
0x29: {  	s16 =	sadd.s32 $0x1, s16;
	_ =	swait.ge [sflag:s15], $0x1000  }
0x2a: {  	p1 =	sne.s32 s16, s7;
	[sflag:s15] =	ssyncset.done $0x0  }
.Ltmp1:
0x2b: {  	[sflag:s15] =	ssyncadd.s32 $0xFFFFF000;
	(pc) =	sbr.rel @!p1 .LBB2_6-.Ltmp1, $4  }
0x2c: {  	[hbm4b:s6+s3] =	stream.linear.scatter [tilespmem:s10], [sflag:$0x2], $0x2000, $0x38;
	[tilespmem:$0x4380] =	vst v63  }
0x2d: {  	_ =	swait.ge [sflag:s8], $0x2000  }
0x2e: {  	[sflag:s8] =	ssyncset.done $0x0  }
0x2f: {  	[sflag:s8] =	ssyncadd.s32 $0xFFFFE000  }
.LBB2_1:
0x30: {  	[tilespmem:s3], [sflag:$0x2] =	stream.linear.gather [hbm4b:s4+s3], $0x100, $0x38;
	[tilespmem:$0x4380] =	vst v63  }
0x31: {  	_ =	swait.ge [sflag:s8], $0x100  }
.Ltmp2:
0x32: {  	[sflag:s8] =	ssyncset.done $0x0;
	(pc) =	sbr.rel @p0 .LBB2_5-.Ltmp2, $4  }
0x33: {  	[sflag:s8] =	ssyncadd.s32 $0xFFFFFF00  }
0x34: {  	[tilespmem:s10], [sflag:$0x1] =	stream.indirect.gather [hbm4b:s1+s9], $0x20, s3, s9, $0xb8;
	[tilespmem:$0x4380] =	vst v63  }
0x35: {  	_ = 	snop  }
0x36: {  	[tilespmem:s11], [sflag:$0x1] =	stream.indirect.gather [hbm4b:s1+s9], $0x20, s9, s9, $0xb8;
	[tilespmem:$0x4380] =	vst v63  }
0x37: {  	s17 =	simm.s32 $0x40;
	s18 =	simm.s32 $0x0  }
.LBB2_3:
0x38: {  	p1 =	sne.s32 s17, $0x7FC0;
	[tilespmem:s18+$0x2180] =	vst v0;
	s18 =	smov.u32 s17;
	s17 =	sadd.s32 $0x40, s17  }
.Ltmp3:
0x39: {  	(pc) =	sbr.rel @p1 .LBB2_3-.Ltmp3, $2  }
0x3a: {  	_ =	sdelay $0x2  }
0x3b: {  	s18 =	sshra.s32 s18, $0x2  }
.Ltmp4:
0x3c: {  	[tilespmem:s18+$0x2180] =	vst v0;
	(pc) =	sbr.rel .LBB2_5-.Ltmp4, $4  }
0x3d: {  	[spmem:s2] =	stream.linear.scatter [tilespmem:s12], [sflag:$0x2], $0x2000, $0x38;
	[tilespmem:$0x4380] =	vst v63  }
0x3e: {  	_ =	swait.ge [sflag:s8], $0x2000  }
0x3f: {  	[sflag:s8] =	ssyncset.done $0x0  }
0x40: {  	[sflag:s8] =	ssyncadd.s32 $0xFFFFE000  }
.LBB2_6:
0x41: {  	_ =	sfence.sel $0x180000  }
0x42: {  	[bflag:$0x0] =	sbarrier.arrive $0xFFFF  }
0x43: {  	_ =	strace $0x90000047  }
0x44: {  	s0 =	sadd.s32 @!p0 $0x100000, s0;
	[bflag:$0x2] =	sbarrier.arrive $0xFFFF  }
0x45: {  	[sflag:s0] =	ssyncadd.tile.s32 @!p0 $0x1;
	_ =	shalt  }
.Lfunc_end2:
_tile_overlayer_lowered:
.L_overlay_start_2:
0x46: {  	(tag) =	ssettag $0x2  }
0x47: {  	s0 =	rddreg [dreg:$0x0];
	s2 =	stileid.u32  }
0x48: {  	s1 =	rddreg [dreg:$0x1];
	p0 =	sne.s32 s2, $0x0  }
0x49: {  	s3 =	rddreg [dreg:$0x2];
	[bflag:$0x3] =	sbarrier.arrive $0xFFFF;
	s2 =	simm.s32 @!p0 $0x1C02  }
0x4a: {  	[timem:s3], [sflag:s2] =	dma.local @!p0 [hbm:s0], s1  }
0x4b: {  	s0 =	simm.s32 @!p0 $0x2  }
0x4c: {  	_ =	swait.ge @!p0 [sflag:s0], s1  }
0x4d: {  	s1 =	ssub.s32 @!p0 $0x0, s1;
	[sflag:s0] =	ssyncset.done @!p0 $0x0  }
0x4e: {  	[sflag:s0] =	ssyncadd.s32 @!p0 s1  }
0x4f: {  	[bflag:$0x3] =	sbarrier.arrive $0xFFFF  }
0x50: {  	_ =	shalt  }

</sc_bundles>
